<compile_context>
chip_gen: v7x
topology: tpu7x:2x2x1
jax: 0.10.2.dev20260603
libtpu: 0.0.44.dev20260713+nightly
codegen_flags: <defaults>
</compile_context>

<pallas_src>
import jax
import jax.numpy as jnp
from jax import lax
from jax.experimental import pallas as pl
from jax.experimental.pallas import tpu as pltpu
from jax.experimental.pallas import tpu_sc as plsc

N = 100000
T = 3200000
NC, NS, L = 2, 16, 16
NW = NC * NS
TW = T // NW
B = 2000
NCHUNK = TW // B


def _tri_kernel(y0_hbm, y1_hbm, w_hbm, ti_hbm, tj_hbm, tk_hbm, out_hbm,
                sh_y0, sh_y1,
                idx_i0, idx_j0, idx_k0, idx_i1, idx_j1, idx_k1,
                w_v0, w_v1,
                yi00, yi10, yj00, yj10, yk00, yk10,
                yi01, yi11, yj01, yj11, yk01, yk11,
                acc_v, sem_idx, sem_g0, sem_g1):
    wid = lax.axis_index("s") * NC + lax.axis_index("c")
    idx = ((idx_i0, idx_j0, idx_k0), (idx_i1, idx_j1, idx_k1))
    w_v = (w_v0, w_v1)
    vals = (((yi00, yi10), (yj00, yj10), (yk00, yk10)),
            ((yi01, yi11), (yj01, yj11), (yk01, yk11)))
    sems = (sem_g0, sem_g1)
    tabs = (sh_y0, sh_y1)

    @pl.when(lax.axis_index("s") == 0)
    def _():
        pltpu.sync_copy(y0_hbm, sh_y0)
        pltpu.sync_copy(y1_hbm, sh_y1)
    plsc.subcore_barrier()

    def stage_and_fire(c, b):
        base = wid * TW + c * B
        cps = [
            pltpu.async_copy(ti_hbm.at[pl.ds(base, B)], idx[b][0], sem_idx),
            pltpu.async_copy(tj_hbm.at[pl.ds(base, B)], idx[b][1], sem_idx),
            pltpu.async_copy(tk_hbm.at[pl.ds(base, B)], idx[b][2], sem_idx),
        ]
        pltpu.async_copy(w_hbm.at[pl.ds(base, B)], w_v[b], sems[b])
        for cp in cps:
            cp.wait()
        for col in range(3):
            for d in range(2):
                pltpu.async_copy(tabs[d].at[idx[b][col]], vals[b][col][d],
                                 sems[b])

    def wait_chunk(b):
        pltpu.make_async_copy(w_hbm.at[pl.ds(0, B)], w_v[b], sems[b]).wait()
        for col in range(3):
            for d in range(2):
                pltpu.make_async_copy(
                    tabs[d].at[idx[b][col]], vals[b][col][d], sems[b]).wait()

    def compute_chunk(b, carry):
        (yi0, yi1), (yj0, yj1), (yk0, yk1) = vals[b]
        wv = w_v[b]

        def lane_body(l, inner):
            la, va = inner
            s = pl.ds(l * L, L)
            a0 = yi0[s]
            a1 = yi1[s]
            dx = a0 - yj0[s]
            dy = a1 - yj1[s]
            ex = a0 - yk0[s]
            ey = a1 - yk1[s]
            d_ij = 1.0 + (dx * dx + dy * dy)
            d_ik = 1.0 + (ex * ex + ey * ey)
            la = la + wv[s] * (d_ij / (d_ij + d_ik))
            va = va + jnp.where(d_ij > d_ik, 1.0, 0.0).astype(jnp.float32)
            return la, va

        return lax.fori_loop(0, B // L, lane_body, carry)


    def pair_body(c2, carry):
        for b in (0, 1):
            c = 2 * c2 + b
            wait_chunk(b)
            carry = compute_chunk(b, carry)
            stage_and_fire(c + 2, b)
        return carry

    zero = jnp.zeros((L,), jnp.float32)
    loss_acc, viol_acc = zero, zero
    acc_v[...] = loss_acc
    pltpu.sync_copy(acc_v, out_hbm.at[0, pl.ds(wid * L, L)])
    acc_v[...] = viol_acc
    pltpu.sync_copy(acc_v, out_hbm.at[1, pl.ds(wid * L, L)])


@jax.jit
def kernel(Y, weights, triplets):
    y0 = Y[:, 0]
    y1 = Y[:, 1]
    tt = triplets.astype(jnp.int32).T.reshape(3 * T)

    mesh = plsc.VectorSubcoreMesh(core_axis_name="c", subcore_axis_name="s")
    run = pl.kernel(
        _tri_kernel,
        out_type=jax.ShapeDtypeStruct((2, NW * L), jnp.float32),
        mesh=mesh,
        scratch_types=(
            [pltpu.VMEM_SHARED((N,), jnp.float32) for _ in range(2)]
            + [pltpu.VMEM((B,), jnp.int32) for _ in range(6)]
            + [pltpu.VMEM((B,), jnp.float32) for _ in range(2)]
            + [pltpu.VMEM((B,), jnp.float32) for _ in range(12)]
            + [pltpu.VMEM((L,), jnp.float32)]
            + [pltpu.SemaphoreType.DMA] * 3
        ),
    )
    partials = run(y0, y1, weights, tt, tt, tt)
    loss = jnp.sum(partials[0])
    num_viol = jnp.sum(partials[1])
    return (loss, num_viol)

# --- scband reference (transcript-rebuilt; emitter-appended) ---
"""Pipeline reference for scband-tri-mapper-22909355557265 (READ-ONLY COPY).

The authoritative reference and input builder live on the scoring server;
editing this copy changes nothing except your own understanding.
"""

import jax, jax.numpy as jnp
import numpy as np

N = 100000
D = 2
T = 3200000

def setup_inputs(seed: int = 0) -> dict:
    key = jax.random.key(seed)
    k1, k2, k3 = jax.random.split(key, 3)
    # ctor args (tensor-valued): triplets and weights
    triplets = jax.random.randint(k1, (T, 3), 0, N, dtype=jnp.int64 if jax.config.read('jax_enable_x64') else jnp.int32)
    weights = jax.random.uniform(k2, (T,), dtype=jnp.float32)
    # learned parameter: embedding table Y, init normal * 1e-4 as in the module
    Y = jax.random.normal(k3, (N, D), dtype=jnp.float32) * 0.0001
    return {"Y": Y, "weights": weights, "triplets": triplets}

def reference(Y, weights, triplets):
    yi = jnp.take(Y, triplets[:, 0], axis=0)
    yj = jnp.take(Y, triplets[:, 1], axis=0)
    yk = jnp.take(Y, triplets[:, 2], axis=0)
    y_ij = yi - yj
    y_ik = yi - yk
    d_ij = 1.0 + jnp.sum(y_ij ** 2, axis=-1)
    d_ik = 1.0 + jnp.sum(y_ik ** 2, axis=-1)
    num_viol = jnp.sum((d_ij > d_ik).astype(jnp.float32))
    loss = jnp.dot(weights, d_ij / (d_ij + d_ik))
    return (loss, num_viol)

if __name__ == "__main__":
    import jax
    _d = setup_inputs()
    print(jax.jit(kernel)(*tuple(_d.values())))

</pallas_src>

<mosaic_0001>
#map = affine_map<(d0, d1) -> (0)>
#map1 = affine_map<(d0, d1) -> (0, 0)>
module attributes {stable_mosaic.version = 14 : i64} {
  func.func @_tri_kernel(%arg0: i32, %arg1: i32, %arg2: memref<100000xf32, #tpu.memory_space<hbm>>, %arg3: memref<100000xf32, #tpu.memory_space<hbm>>, %arg4: memref<3200000xf32, #tpu.memory_space<hbm>>, %arg5: memref<9600000xi32, #tpu.memory_space<hbm>>, %arg6: memref<9600000xi32, #tpu.memory_space<hbm>>, %arg7: memref<9600000xi32, #tpu.memory_space<hbm>>, %arg8: memref<2x512xf32, #tpu.memory_space<hbm>>, %arg9: memref<100000xf32, #tpu.memory_space<vmem_shared>>, %arg10: memref<100000xf32, #tpu.memory_space<vmem_shared>>, %arg11: memref<2000xi32, #tpu.memory_space<vmem>>, %arg12: memref<2000xi32, #tpu.memory_space<vmem>>, %arg13: memref<2000xi32, #tpu.memory_space<vmem>>, %arg14: memref<2000xi32, #tpu.memory_space<vmem>>, %arg15: memref<2000xi32, #tpu.memory_space<vmem>>, %arg16: memref<2000xi32, #tpu.memory_space<vmem>>, %arg17: memref<2000xf32, #tpu.memory_space<vmem>>, %arg18: memref<2000xf32, #tpu.memory_space<vmem>>, %arg19: memref<2000xf32, #tpu.memory_space<vmem>>, %arg20: memref<2000xf32, #tpu.memory_space<vmem>>, %arg21: memref<2000xf32, #tpu.memory_space<vmem>>, %arg22: memref<2000xf32, #tpu.memory_space<vmem>>, %arg23: memref<2000xf32, #tpu.memory_space<vmem>>, %arg24: memref<2000xf32, #tpu.memory_space<vmem>>, %arg25: memref<2000xf32, #tpu.memory_space<vmem>>, %arg26: memref<2000xf32, #tpu.memory_space<vmem>>, %arg27: memref<2000xf32, #tpu.memory_space<vmem>>, %arg28: memref<2000xf32, #tpu.memory_space<vmem>>, %arg29: memref<2000xf32, #tpu.memory_space<vmem>>, %arg30: memref<2000xf32, #tpu.memory_space<vmem>>, %arg31: memref<16xf32, #tpu.memory_space<vmem>>, %arg32: memref<!tpu.dma_semaphore, #tpu.memory_space<semaphore_mem>>, %arg33: memref<!tpu.dma_semaphore, #tpu.memory_space<semaphore_mem>>, %arg34: memref<!tpu.dma_semaphore, #tpu.memory_space<semaphore_mem>>) attributes {dimension_semantics = [#tpu.dimension_semantics<core_parallel>, #tpu.dimension_semantics<subcore_parallel>], iteration_bounds = array<i64: 2, 16>, scalar_prefetch = 0 : i64, scratch_operands = 26 : i64, tpu.core_type = #tpu.core_type<sc_vector_subcore>, window_params = [{transform_indices = #map}, {transform_indices = #map}, {transform_indices = #map}, {transform_indices = #map}, {transform_indices = #map}, {transform_indices = #map}, {transform_indices = #map1}]} {
    %mul3A = arith.constant 2 : i32
    %mul3A_0 = arith.muli %arg1, %mul3A : i32
    %add3A = arith.addi %mul3A_0, %arg0 : i32
    %eq3A = arith.constant 0 : i32
    %eq3A_1 = arith.cmpi eq, %arg1, %eq3A : i32
    %convert_element_type3A = arith.extui %eq3A_1 : i1 to i32
    %cond3A = arith.constant 0 : i32
    %cond3A_2 = arith.cmpi ne, %convert_element_type3A, %cond3A : i32
    scf.if %cond3A_2 {
      "tpu.region"() ({
        %run_scoped3A_16 = tpu.sem_alloc : memref<!tpu.dma_semaphore, #tpu.memory_space<semaphore_mem>>
        tpu.enqueue_dma source(%arg2 : memref<100000xf32, #tpu.memory_space<hbm>>) target(%arg9 : memref<100000xf32, #tpu.memory_space<vmem_shared>>) target_semaphore(%run_scoped3A_16 : memref<!tpu.dma_semaphore, #tpu.memory_space<semaphore_mem>>)
        tpu.wait_dma2 semaphore(%run_scoped3A_16 : memref<!tpu.dma_semaphore, #tpu.memory_space<semaphore_mem>>) src(%arg2 : memref<100000xf32, #tpu.memory_space<hbm>>) dst(%arg9 : memref<100000xf32, #tpu.memory_space<vmem_shared>>)
        tpu.yield
      }) : () -> ()
      "tpu.region"() ({
        %run_scoped3A_16 = tpu.sem_alloc : memref<!tpu.dma_semaphore, #tpu.memory_space<semaphore_mem>>
        tpu.enqueue_dma source(%arg3 : memref<100000xf32, #tpu.memory_space<hbm>>) target(%arg10 : memref<100000xf32, #tpu.memory_space<vmem_shared>>) target_semaphore(%run_scoped3A_16 : memref<!tpu.dma_semaphore, #tpu.memory_space<semaphore_mem>>)
        tpu.wait_dma2 semaphore(%run_scoped3A_16 : memref<!tpu.dma_semaphore, #tpu.memory_space<semaphore_mem>>) src(%arg3 : memref<100000xf32, #tpu.memory_space<hbm>>) dst(%arg10 : memref<100000xf32, #tpu.memory_space<vmem_shared>>)
        tpu.yield
      }) : () -> ()
    } else {
    }
    %barrier3A = arith.constant 0 : index
    tpu.barrier barrier_id(%barrier3A)
    %broadcast_in_dim3A = arith.constant 0.000000e+00 : f32
    %broadcast_in_dim3A_3 = vector.broadcast %broadcast_in_dim3A : f32 to vector<16xf32>
    %swap3A = arith.constant 0 : index
    %swap3A_4 = tpu.vector_load %arg31[%swap3A] {strides = array<i32>} : memref<16xf32, #tpu.memory_space<vmem>>, vector<16xf32>,
    %swap3A_5 = vector.shape_cast %swap3A_4 : vector<16xf32> to vector<16xf32>
    %swap3A_6 = vector.shape_cast %broadcast_in_dim3A_3 : vector<16xf32> to vector<16xf32>
    tpu.vector_store %arg31[%swap3A], %swap3A_6 {strides = array<i32>} : memref<16xf32, #tpu.memory_space<vmem>>, vector<16xf32>,
    %mul3A_7 = arith.constant 16 : i32
    %mul3A_8 = arith.muli %add3A, %mul3A_7 : i32
    %run_scoped3A = arith.constant 0 : i32
    "tpu.region"() ({
      %run_scoped3A_16 = tpu.sem_alloc : memref<!tpu.dma_semaphore, #tpu.memory_space<semaphore_mem>>
      %dma_start3A = tpu.memref_slice %arg8[%run_scoped3A, %mul3A_8] : memref<2x512xf32, #tpu.memory_space<hbm>> -> memref<1x16xf32, #tpu.memory_space<hbm>>
      %dma_start3A_17 = tpu.memref_squeeze %dma_start3A : memref<1x16xf32, #tpu.memory_space<hbm>> -> memref<16xf32, #tpu.memory_space<hbm>>
      %dma_start3A_18 = tpu.memref_slice %arg8[%run_scoped3A, %mul3A_8] : memref<2x512xf32, #tpu.memory_space<hbm>> -> memref<1x16xf32, #tpu.memory_space<hbm>>
      %dma_start3A_19 = tpu.memref_squeeze %dma_start3A_18 : memref<1x16xf32, #tpu.memory_space<hbm>> -> memref<16xf32, #tpu.memory_space<hbm>>
      tpu.enqueue_dma source(%arg31 : memref<16xf32, #tpu.memory_space<vmem>>) target(%dma_start3A_19 : memref<16xf32, #tpu.memory_space<hbm>>) target_semaphore(%run_scoped3A_16 : memref<!tpu.dma_semaphore, #tpu.memory_space<semaphore_mem>>)
      %dma_wait3A = tpu.memref_slice %arg8[%run_scoped3A, %mul3A_8] : memref<2x512xf32, #tpu.memory_space<hbm>> -> memref<1x16xf32, #tpu.memory_space<hbm>>
      %dma_wait3A_20 = tpu.memref_squeeze %dma_wait3A : memref<1x16xf32, #tpu.memory_space<hbm>> -> memref<16xf32, #tpu.memory_space<hbm>>
      %dma_wait3A_21 = tpu.memref_slice %arg8[%run_scoped3A, %mul3A_8] : memref<2x512xf32, #tpu.memory_space<hbm>> -> memref<1x16xf32, #tpu.memory_space<hbm>>
      %dma_wait3A_22 = tpu.memref_squeeze %dma_wait3A_21 : memref<1x16xf32, #tpu.memory_space<hbm>> -> memref<16xf32, #tpu.memory_space<hbm>>
      tpu.wait_dma2 semaphore(%run_scoped3A_16 : memref<!tpu.dma_semaphore, #tpu.memory_space<semaphore_mem>>) src(%arg31 : memref<16xf32, #tpu.memory_space<vmem>>) dst(%dma_wait3A_22 : memref<16xf32, #tpu.memory_space<hbm>>)
      tpu.yield
    }) : () -> ()
    %swap3A_9 = arith.constant 0 : index
    %swap3A_10 = tpu.vector_load %arg31[%swap3A_9] {strides = array<i32>} : memref<16xf32, #tpu.memory_space<vmem>>, vector<16xf32>,
    %swap3A_11 = vector.shape_cast %swap3A_10 : vector<16xf32> to vector<16xf32>
    %swap3A_12 = vector.shape_cast %broadcast_in_dim3A_3 : vector<16xf32> to vector<16xf32>
    tpu.vector_store %arg31[%swap3A_9], %swap3A_12 {strides = array<i32>} : memref<16xf32, #tpu.memory_space<vmem>>, vector<16xf32>,
    %mul3A_13 = arith.constant 16 : i32
    %mul3A_14 = arith.muli %add3A, %mul3A_13 : i32
    %run_scoped3A_15 = arith.constant 1 : i32
    "tpu.region"() ({
      %run_scoped3A_16 = tpu.sem_alloc : memref<!tpu.dma_semaphore, #tpu.memory_space<semaphore_mem>>
      %dma_start3A = tpu.memref_slice %arg8[%run_scoped3A_15, %mul3A_14] : memref<2x512xf32, #tpu.memory_space<hbm>> -> memref<1x16xf32, #tpu.memory_space<hbm>>
      %dma_start3A_17 = tpu.memref_squeeze %dma_start3A : memref<1x16xf32, #tpu.memory_space<hbm>> -> memref<16xf32, #tpu.memory_space<hbm>>
      %dma_start3A_18 = tpu.memref_slice %arg8[%run_scoped3A_15, %mul3A_14] : memref<2x512xf32, #tpu.memory_space<hbm>> -> memref<1x16xf32, #tpu.memory_space<hbm>>
      %dma_start3A_19 = tpu.memref_squeeze %dma_start3A_18 : memref<1x16xf32, #tpu.memory_space<hbm>> -> memref<16xf32, #tpu.memory_space<hbm>>
      tpu.enqueue_dma source(%arg31 : memref<16xf32, #tpu.memory_space<vmem>>) target(%dma_start3A_19 : memref<16xf32, #tpu.memory_space<hbm>>) target_semaphore(%run_scoped3A_16 : memref<!tpu.dma_semaphore, #tpu.memory_space<semaphore_mem>>)
      %dma_wait3A = tpu.memref_slice %arg8[%run_scoped3A_15, %mul3A_14] : memref<2x512xf32, #tpu.memory_space<hbm>> -> memref<1x16xf32, #tpu.memory_space<hbm>>
      %dma_wait3A_20 = tpu.memref_squeeze %dma_wait3A : memref<1x16xf32, #tpu.memory_space<hbm>> -> memref<16xf32, #tpu.memory_space<hbm>>
      %dma_wait3A_21 = tpu.memref_slice %arg8[%run_scoped3A_15, %mul3A_14] : memref<2x512xf32, #tpu.memory_space<hbm>> -> memref<1x16xf32, #tpu.memory_space<hbm>>
      %dma_wait3A_22 = tpu.memref_squeeze %dma_wait3A_21 : memref<1x16xf32, #tpu.memory_space<hbm>> -> memref<16xf32, #tpu.memory_space<hbm>>
      tpu.wait_dma2 semaphore(%run_scoped3A_16 : memref<!tpu.dma_semaphore, #tpu.memory_space<semaphore_mem>>) src(%arg31 : memref<16xf32, #tpu.memory_space<vmem>>) dst(%dma_wait3A_22 : memref<16xf32, #tpu.memory_space<hbm>>)
      tpu.yield
    }) : () -> ()
    return
  }
}

</mosaic_0001>

<sc_bundles>
// kernel: kernel.3.cloned.1.call-start
scs
__scs_entry_jumppad:
0x0: {  	(pc) =	sbr.rel $0x88, $3  }
0x1: {  	(tag) =	ssettag $0x0;
	lr =	simm.s32 $0x1  }
0x2: {  	[smem:$0x3F9E] =	sst lr;
	_ =	strace $0xD0000000  }
0x3: {  	_ = 	snop  }
0x4: {  	_ = 	snop  }
0x5: {  	_ = 	snop  }
0x6: {  	_ = 	snop  }
0x7: {  	_ = 	snop  }
__scs_overlays_trampoline_lowered:
0x8: {  	[smem:$0x3FAD] =	sst s0  }
0x9: {  	[smem:$0x3FAE] =	sst s1  }
0xa: {  	[smem:$0x3FAF] =	sst s2  }
0xb: {  	[smem:$0x3FB0] =	sst s3  }
0xc: {  	[smem:$0x3FB1] =	sst s4  }
0xd: {  	[smem:$0x3FB2] =	sst s5  }
0xe: {  	[smem:$0x3FB3] =	sst s6  }
0xf: {  	[smem:$0x3FB4] =	sst s7  }
0x10: {  	[smem:$0x3FB5] =	sst s8  }
0x11: {  	[smem:$0x3FB6] =	sst s9;
	s0 =	simm.s32 @!p0 $0x0  }
0x12: {  	s1 =	sld [smem:$0x3F9C];
	s0 =	simm.s32 @p0 $0x1  }
0x13: {  	[smem:$0x3FB7] =	sst s0;
	s0 =	simm.s32 @!p1 $0x0  }
0x14: {  	s2 =	sld [smem:$0x3F9B];
	s0 =	simm.s32 @p1 $0x1  }
0x15: {  	[smem:$0x3FB8] =	sst s0;
	s0 =	simm.s32 @!p2 $0x0  }
0x16: {  	s3 =	sld [smem:$0x3FDB];
	s0 =	simm.s32 @p2 $0x1  }
0x17: {  	s4 =	simm.s32 $0x1BF5;
	[smem:$0x3FBA] =	sst s0  }
0x18: {  	s0 =	sld [smem:$0x3F9D];
	_ =	swait.ge [sflag:s4], $0x0  }
0x19: {  	s7 =	sld [smem:$0x3F9E]  }
0x1a: {  	s8 =	sadd.s32 $0xFFFFE003, lr  }
0x1b: {  	s9 =	sadd.s32 $0xFFFFFEF7, lr;
	s5 =	simm.s32 $0xFFFFFFFF;
	p2 =	slt.u32 s8, $0xFFFFF086  }
0x1c: {  	p1 =	slt.u32 s9, $0xF7A;
	s5 =	simm.s32 @!p2 $0x0  }
0x1d: {  	s5 =	simm.s32 @p1 $0x1;
	p0 =	seq.s32 s7, s2  }
0x1e: {  	s7 =	smul.u32 @!p0 $0xF7A, s2;
	p2 =	seq.s32 @!p0 s5, $0x0  }
0x1f: {  	s9 =	smul.u32 $0xF7A, s1;
	s8 =	simm.s32 @!p0 $0x1BF5;
	p2 =	por !p2, p0  }
0x20: {  	[sflag:s8] =	ssyncset.s32 @!p0 $0xFFFFF086;
	s6 =	sadd.s32 @!p0 s3, s7;
	s7 =	simm.s32 @!p0 $0x108  }
0x21: {  	s3 =	sadd.s32 s3, s9;
	s6 =	sadd.s32 @!p0 $0x88, s6;
	s7 =	simm.s32 @p2 $0x1082  }
0x22: {  	[simem:s7], [sflag:s8] =	dma.local @!p0 [hbm:s6], $0xF7A  }
0x23: {  	s9 =	sor.u32 $0xD0000000, s2;
	s6 =	simm.s32 $0x108;
	_ =	swait.ge @!p0 [sflag:s8], $0x0  }
0x24: {  	s3 =	sadd.s32 $0x88, s3;
	s6 =	simm.s32 @!p1 $0x1082;
	[sflag:s4] =	ssyncset.s32 $0xFFFFF086  }
0x25: {  	[simem:s6], [sflag:s4] =	dma.local [hbm:s3], $0xF7A  }
0x26: {  	[smem:$0x3F9E] =	sst s1;
	(tag) =	ssettag s2;
	_ =	strace s9  }
0x27: {  	s1 =	sld [smem:$0x3FAE]  }
0x28: {  	s2 =	sld [smem:$0x3FAF]  }
0x29: {  	s4 =	sld [smem:$0x3FB1]  }
0x2a: {  	p0 =	seq.s32 s5, $0x0;
	s5 =	sld [smem:$0x3FB2]  }
0x2b: {  	s6 =	sld [smem:$0x3FB3]  }
0x2c: {  	s7 =	sld [smem:$0x3FB4]  }
0x2d: {  	s3 =	simm.s32 $0x108;
	s8 =	sld [smem:$0x3FB5]  }
0x2e: {  	s3 =	simm.s32 @!p0 $0x1082;
	s9 =	sld [smem:$0x3FB6]  }
0x2f: {  	lr =	sadd.s32 s0, s3;
	s0 =	sld [smem:$0x3FAD]  }
0x30: {  	s3 =	sld [smem:$0x3FB0]  }
0x31: {  	[smem:$0x3FB9] =	sst s10  }
0x32: {  	s10 =	sld [smem:$0x3FB7];
	_ =	sdelay $0x3  }
0x33: {  	p0 =	seq.s32 s10, $0x1;
	s10 =	sld [smem:$0x3FB9];
	_ =	sdelay $0x3  }
0x34: {  	[smem:$0x3FB9] =	sst s10  }
0x35: {  	s10 =	sld [smem:$0x3FB8];
	_ =	sdelay $0x3  }
0x36: {  	p1 =	seq.s32 s10, $0x1;
	s10 =	sld [smem:$0x3FB9];
	_ =	sdelay $0x3  }
0x37: {  	[smem:$0x3FB9] =	sst s10  }
0x38: {  	s10 =	sld [smem:$0x3FBA]  }
0x39: {  	_ = 	snop;
	(pc) =	sbr.ind lr, $3  }
0x3a: {  	_ = 	snop  }
0x3b: {  	_ = 	snop  }
0x3c: {  	p2 =	seq.s32 s10, $0x1;
	s10 =	sld [smem:$0x3FB9]  }
0x3d: {  	_ =	shalt  }
0x3e: {  	_ =	shalt  }
0x3f: {  	_ =	shalt  }
0x40: {  	_ =	shalt  }
0x41: {  	_ =	shalt  }
0x42: {  	_ =	shalt  }
0x43: {  	_ =	shalt  }
0x44: {  	_ =	shalt  }
0x45: {  	_ =	shalt  }
0x46: {  	_ =	shalt  }
0x47: {  	_ =	shalt  }
0x48: {  	_ =	shalt  }
0x49: {  	_ =	shalt  }
0x4a: {  	_ =	shalt  }
0x4b: {  	_ =	shalt  }
0x4c: {  	_ =	shalt  }
0x4d: {  	_ =	shalt  }
0x4e: {  	_ =	shalt  }
0x4f: {  	_ =	shalt  }
0x50: {  	_ =	shalt  }
0x51: {  	_ =	shalt  }
0x52: {  	_ =	shalt  }
0x53: {  	_ =	shalt  }
0x54: {  	_ =	shalt  }
0x55: {  	_ =	shalt  }
0x56: {  	_ =	shalt  }
0x57: {  	_ =	shalt  }
0x58: {  	_ =	shalt  }
0x59: {  	_ =	shalt  }
0x5a: {  	_ =	shalt  }
0x5b: {  	_ =	shalt  }
0x5c: {  	_ =	shalt  }
0x5d: {  	_ =	shalt  }
0x5e: {  	_ =	shalt  }
0x5f: {  	_ =	shalt  }
0x60: {  	_ =	shalt  }
0x61: {  	_ =	shalt  }
0x62: {  	_ =	shalt  }
0x63: {  	_ =	shalt  }
0x64: {  	_ =	shalt  }
0x65: {  	_ =	shalt  }
0x66: {  	_ =	shalt  }
0x67: {  	_ =	shalt  }
0x68: {  	_ =	shalt  }
0x69: {  	_ =	shalt  }
0x6a: {  	_ =	shalt  }
0x6b: {  	_ =	shalt  }
0x6c: {  	_ =	shalt  }
0x6d: {  	_ =	shalt  }
0x6e: {  	_ =	shalt  }
0x6f: {  	_ =	shalt  }
0x70: {  	_ =	shalt  }
0x71: {  	_ =	shalt  }
0x72: {  	_ =	shalt  }
0x73: {  	_ =	shalt  }
0x74: {  	_ =	shalt  }
0x75: {  	_ =	shalt  }
0x76: {  	_ =	shalt  }
0x77: {  	_ =	shalt  }
0x78: {  	_ =	shalt  }
0x79: {  	_ =	shalt  }
0x7a: {  	_ =	shalt  }
0x7b: {  	_ =	shalt  }
0x7c: {  	_ =	shalt  }
0x7d: {  	_ =	shalt  }
0x7e: {  	_ =	shalt  }
0x7f: {  	_ =	shalt  }
0x80: {  	_ =	shalt  }
0x81: {  	_ =	shalt  }
0x82: {  	_ =	shalt  }
0x83: {  	_ =	shalt  }
0x84: {  	_ =	shalt  }
0x85: {  	_ =	shalt  }
0x86: {  	_ =	shalt  }
0x87: {  	_ =	shalt  }
.Lfunc_end0:
.L_simem_size_0:
called_computation_lowered:
.L_overlay_start_0:
0x88: {  	s2 =	sld [smem:$0x3FD9]  }
0x89: {  	s3 =	sld [smem:$0x3FFE];
	_ =	sdelay $0x1  }
0x8a: {  	s1 =	srdreg.scid  }
0x8b: {  	s0 =	sand.u32 $0x1, s1  }
0x8c: {  	s16 =	sshll.u32 s0, $0xA;
	s2 =	sadd.s32 s3, s2  }
0x8d: {  	s2 =	sadd.s32 s2, s16  }
0x8e: {  	[smem:$0x3FC5] =	sst s2  }
0x8f: {  	_ = 	snop  }
0x90: {  	(tm) =	ssettm $0x1  }
0x91: {  	s17 =	sld [smem:$0x3FFB];
	_ =	sdelay $0x3  }
0x92: {  	_ =	strace s17  }
0x93: {  	s2 =	sld [smem:$0x3FFC];
	_ =	sdelay $0x3  }
0x94: {  	_ =	strace s2  }
0x95: {  	s2 =	sld [smem:$0x3FFD];
	_ =	sdelay $0x3  }
0x96: {  	_ =	strace s2  }
0x97: {  	_ =	strace $0x8FFFFFFF  }
0x98: {  	s18 =	sld [smem:$0x3FDB];
	_ =	sdelay $0x1  }
0x99: {  	s19 =	simm.s32 $_scs_section_size  }
0x9a: {  	s4 =	simm.s32 $_size__tile_overlayer_lowered;
	s5 =	simm.s32 $_tile_overlayer_lowered  }
0x9b: {  	s22 =	simm.s32 $0x1BFF;
	s21 =	sshll.u32 s5, $0x1;
	s2 =	sadd.s32 s19, s18  }
0x9c: {  	s6 =	simm.s32 $0x0;
	s20 =	sshll.u32 s4, $0x1;
	s4 =	sadd.s32 s21, s2  }
0x9d: {  	[timem:s6], [sflag:s22] =	dma.local [hbm:s4], s20  }
0x9e: {  	_ =	swait.ge [sflag:s22], s20  }
0x9f: {  	s3 =	ssub.s32 $0x0, s20;
	[sflag:s22] =	ssyncset.done $0x0  }
0xa0: {  	[sflag:s22] =	ssyncadd.s32 s3;
	_ =	sdelay $0x1  }
0xa1: {  	s23 =	simm.s32 $0x1B8B  }
0xa2: {  	_ =	swait.ge [sflag:s23], $0x1  }
0xa3: {  	[sflag:s23] =	ssyncset.done $0x0  }
0xa4: {  	s25 =	simm.s32 $0x1B8E;
	s24 =	sld [smem:$0x3FFE];
	[sflag:s23] =	ssyncadd.s32 $0xFFFFFFFF  }
0xa5: {  	s26 =	simm.s32 $execute0_lowered;
	[smem:$0x3FD2] =	sst s25  }
0xa6: {  	s4 =	sshll.u32 s26, $0x1;
	_ =	strace $0x80000046;
	[dreg:$0x1] =	wrdreg $0xFFFFFFFF  }
0xa7: {  	s28 =	simm.s32 $_size_execute0_lowered;
	s2 =	sadd.s32 s2, s4;
	[dreg:$0x0] =	wrdreg $0x0  }
0xa8: {  	s4 =	sshll.u32 s28, $0x1;
	[dreg:$0x2] =	wrdreg s2  }
0xa9: {  	[dreg:$0x3] =	wrdreg s4  }
0xaa: {  	[dreg:$0x4] =	wrdreg $0xC0  }
0xab: {  	_ =	task [dreg:s6], $0x5FFFF  }
0xac: {  	[dreg:$0x1] =	wrdreg $0xFFFFFFFF  }
0xad: {  	[dreg:$0x0] =	wrdreg $0x60  }
0xae: {  	[dreg:$0x2] =	wrdreg s24  }
0xaf: {  	[dreg:$0x3] =	wrdreg $0x0  }
0xb0: {  	[dreg:$0x4] =	wrdreg $0x18700  }
0xb1: {  	[dreg:$0x5] =	wrdreg $0x9  }
0xb2: {  	_ =	task.clear_ibuf [dreg:s6], $0x6FFFF;
	_ =	strace $0x90000046  }
0xb3: {  	s29 =	simm.s32 $0x9;
	_ =	strace $0x80000048  }
0xb4: {  	_ =	swait.ge [sflag:s29], $0x1  }
0xb5: {  	[sflag:s29] =	ssyncadd.s32 $0xFFFFFFFF  }
0xb6: {  	_ =	strace $0x90000048  }
0xb7: {  	_ =	sfence  }
0xb8: {  	s30 =	sld [smem:$0x0];
	_ =	sdelay $0x2  }
0xb9: {  	s31 =	sshll.u32 s1, $0xD;
	s1 =	sshrl.u32 s1, $0x2  }
0xba: {  	s3 =	sand.u32 $0x4000, s31;
	s1 =	sadd.s32 s1, s30  }
0xbb: {  	s0 =	sor.u32 s3, s0;
	s1 =	sshll.u32 s1, $0x11  }
0xbc: {  	s0 =	sor.u32 s1, s0  }
0xbd: {  	s0 =	sadd.s32 $0x8F2B, s0  }
0xbe: {  	[sflag:s0] =	ssyncadd.remote.s32 $0x1  }
0xbf: {  	_ =	sfence.sel $0xFFFF  }
0xc0: {  	[dreg:$0x0] =	wrdreg $0xFFFFFFFF;
	(pc) =	sbr.abs _section_cstart, $3  }
0xc1: {  	[dreg:$0x1] =	wrdreg $0xFFFFFFFF  }
0xc2: {  	_ =	task.clear_ibuf [dreg:s6], $0x2FFFF;
	_ =	strace $0x9FFFFFFF  }
0xc3: {  	(tm) =	ssettm $0x7FFFFFFF  }
tec
execute0_lowered:
.L_overlay_start_1:
0x0: {  	(tag) =	ssettag $0x1  }
0x1: {  	s3 =	srdreg.scid;
	s8 =	stileid.u32  }
0x2: {  	s3 =	sand.u32 $0x1, s3;
	s6 =	sshll.u32 s8, $0x2;
	s9 =	sshll.u32 s8, $0x3  }
0x3: {  	s7 =	sshll.u32 s3, $0x1;
	s6 =	sand.u32 $0xC, s6;
	s3 =	ssub.s32 $0x2, s3  }
0x4: {  	s9 =	sand.u32 $0x60, s9;
	s6 =	sor.u32 s7, s6;
	s31 =	sshrl.u32 s3, $0x1  }
0x5: {  	s2 =	rddreg [dreg:$0x0];
	s6 =	sor.u32 s9, s6;
	s9 =	ssub.s32 s3, s31  }
0x6: {  	s4 =	rddreg [dreg:$0x1];
	s9 =	smax.u32 s9, $0x1  }
0x7: {  	s5 =	rddreg [dreg:$0x2];
	s12 =	sadd.s32 $0xFFFFFFFF, s9  }
0x8: {  	s0 =	rddreg [dreg:$0x3];
	s1 =	simm.s32 $0x0;
	p2 =	sne.s32 s12, $0x0  }
.Ltmp0:
0x9: {  	[smem:$0x7FF] =	sst s1;
	(pc) =	sbr.rel @!p2 .LBB2_3-.Ltmp0, $4  }
0xa: {  	p1 =	por $0x0, $0x0;
	p0 =	sne.s32 s8, $0x0;
	_ =	strace $0x80000047  }
0xb: {  	s8 =	sshrl.u32 @!p0 s5, $0x3;
	s7 =	sadd.s32 $0x128200, s2;
	s10 =	sadd.s32 s6, s2  }
0xc: {  	s5 =	simm.s32 $0x30E0;
	s6 =	sadd.s32 $0x125000, s2;
	s3 =	sadd.s32 $0x12B400, s10  }
0xd: {  	v0 =	vimm.f32 $0.0e+00;
	s2 =	sadd.s32 $0x12B410, s10;
	s9 =	sshrl.u32 @!p0 s4, $0x3;
	s4 =	simm.s32 $0x1  }
0xe: {  	s10 =	simm.s32 @!p0 $0x1C01;
	s11 =	simm.s32 @!p0 $0x1  }
0xf: {  	[spmem:s9], [sflag:s10] =	dma.local @!p0 [hbm:s7], $0x30E0  }
0x10: {  	_ =	swait.ge @!p0 [sflag:s11], $0x30E0  }
0x11: {  	[sflag:s11] =	ssyncset.done @!p0 $0x0  }
0x12: {  	[sflag:s11] =	ssyncadd.s32 @!p0 $0xFFFFCF20  }
0x13: {  	[spmem:s8], [sflag:s10] =	dma.local @!p0 [hbm:s6], $0x30E0  }
0x14: {  	_ =	swait.ge @!p0 [sflag:s11], $0x30E0  }
0x15: {  	[sflag:s11] =	ssyncset.done @!p0 $0x0  }
0x16: {  	[sflag:s11] =	ssyncadd.s32 @!p0 $0xFFFFCF20  }
0x17: {  	[bflag:$0x0] =	sbarrier.arrive $0xFFFF  }
0x18: {  	[tilespmem:$0x30E0] =	vst v0  }
0x19: {  	[hbm4b:s3+s1] =	stream.linear.scatter [tilespmem:s5], [sflag:$0x1], $0x10, $0x38;
	[tilespmem:$0x3160] =	vst v63  }
0x1a: {  	s12 =	sadd.s32 $0xFFFFFFFF, s12;
	_ =	swait.ge [sflag:s4], $0x10  }
0x1b: {  	p2 =	sne.s32 s12, $0x0;
	[sflag:s4] =	ssyncset.done $0x0  }
.Ltmp1:
0x1c: {  	[sflag:s4] =	ssyncadd.s32 $0xFFFFFFF0;
	(pc) =	sbr.rel @!p2 .LBB2_3-.Ltmp1, $4  }
0x1d: {  	[tilespmem:$0x30E0] =	vst v0  }
0x1e: {  	[hbm4b:s2+s1] =	stream.linear.scatter [tilespmem:s5], [sflag:$0x1], $0x10, $0x38;
	[tilespmem:$0x3160] =	vst v63  }
0x1f: {  	_ =	swait.ge [sflag:s4], $0x10  }
0x20: {  	p1 =	por $0x1, $0x1;
	[sflag:s4] =	ssyncset.done $0x0  }
.LBB2_2:
0x21: {  	[sflag:s4] =	ssyncadd.s32 $0xFFFFFFF0  }
0x22: {  	[spmem:s9], [sflag:s10] =	dma.local @!p0 [hbm:s7], $0x30E0  }
0x23: {  	s12 =	sadd.s32 $0xFFFFFFFF, s12;
	_ =	swait.ge @!p0 [sflag:s11], $0x30E0  }
0x24: {  	p2 =	sne.s32 s12, $0x0;
	[sflag:s11] =	ssyncset.done @!p0 $0x0  }
0x25: {  	[sflag:s11] =	ssyncadd.s32 @!p0 $0xFFFFCF20  }
0x26: {  	[spmem:s8], [sflag:s10] =	dma.local @!p0 [hbm:s6], $0x30E0  }
0x27: {  	_ =	swait.ge @!p0 [sflag:s11], $0x30E0  }
0x28: {  	[sflag:s11] =	ssyncset.done @!p0 $0x0  }
0x29: {  	[sflag:s11] =	ssyncadd.s32 @!p0 $0xFFFFCF20  }
0x2a: {  	[bflag:$0x0] =	sbarrier.arrive $0xFFFF  }
0x2b: {  	[tilespmem:$0x30E0] =	vst v0  }
0x2c: {  	[hbm4b:s3+s1] =	stream.linear.scatter [tilespmem:s5], [sflag:$0x1], $0x10, $0x38;
	[tilespmem:$0x3160] =	vst v63  }
0x2d: {  	_ =	swait.ge [sflag:s4], $0x10  }
0x2e: {  	[sflag:s4] =	ssyncset.done $0x0  }
.Ltmp2:
0x2f: {  	[sflag:s4] =	ssyncadd.s32 $0xFFFFFFF0;
	(pc) =	sbr.rel @p2 .LBB2_2-.Ltmp2, $4  }
0x30: {  	[tilespmem:$0x30E0] =	vst v0  }
0x31: {  	[hbm4b:s2+s1] =	stream.linear.scatter [tilespmem:s5], [sflag:$0x1], $0x10, $0x38;
	[tilespmem:$0x3160] =	vst v63  }
0x32: {  	_ =	swait.ge [sflag:s4], $0x10  }
0x33: {  	[sflag:s4] =	ssyncset.done $0x0  }
.LBB2_3:
0x34: {  	s10 =	simm.s32 @!p0 $0x1C01;
	s11 =	simm.s32 @!p0 $0x1;
	[sflag:s4] =	ssyncadd.s32 @p1 $0xFFFFFFF0  }
0x35: {  	[spmem:s9], [sflag:s10] =	dma.local @!p0 [hbm:s7], $0x30E0  }
0x36: {  	_ =	swait.ge @!p0 [sflag:s11], $0x30E0  }
0x37: {  	[sflag:s11] =	ssyncset.done @!p0 $0x0  }
0x38: {  	[sflag:s11] =	ssyncadd.s32 @!p0 $0xFFFFCF20  }
0x39: {  	[spmem:s8], [sflag:s10] =	dma.local @!p0 [hbm:s6], $0x30E0  }
0x3a: {  	_ =	swait.ge @!p0 [sflag:s11], $0x30E0  }
0x3b: {  	[sflag:s11] =	ssyncset.done @!p0 $0x0  }
0x3c: {  	[sflag:s11] =	ssyncadd.s32 @!p0 $0xFFFFCF20  }
0x3d: {  	[bflag:$0x0] =	sbarrier.arrive $0xFFFF  }
0x3e: {  	[tilespmem:$0x30E0] =	vst v0  }
0x3f: {  	[hbm4b:s3+s1] =	stream.linear.scatter [tilespmem:s5], [sflag:$0x1], $0x10, $0x38;
	[tilespmem:$0x3160] =	vst v63  }
0x40: {  	_ =	swait.ge [sflag:s4], $0x10  }
0x41: {  	[sflag:s4] =	ssyncset.done $0x0  }
0x42: {  	[sflag:s4] =	ssyncadd.s32 $0xFFFFFFF0  }
0x43: {  	[tilespmem:$0x30E0] =	vst v0  }
0x44: {  	[hbm4b:s2+s1] =	stream.linear.scatter [tilespmem:s5], [sflag:$0x1], $0x10, $0x38;
	[tilespmem:$0x3160] =	vst v63  }
0x45: {  	_ =	swait.ge [sflag:s4], $0x10  }
0x46: {  	[sflag:s4] =	ssyncset.done $0x0  }
0x47: {  	[sflag:s4] =	ssyncadd.s32 $0xFFFFFFF0  }
0x48: {  	_ =	sfence.sel $0x180000  }
0x49: {  	[bflag:$0x0] =	sbarrier.arrive $0xFFFF  }
0x4a: {  	_ =	strace $0x90000047  }
0x4b: {  	s0 =	sadd.s32 @!p0 $0x100000, s0;
	[bflag:$0x2] =	sbarrier.arrive $0xFFFF  }
0x4c: {  	[sflag:s0] =	ssyncadd.tile.s32 @!p0 $0x1;
	_ =	shalt  }
.Lfunc_end2:
_tile_overlayer_lowered:
.L_overlay_start_2:
0x4d: {  	(tag) =	ssettag $0x2  }
0x4e: {  	s0 =	rddreg [dreg:$0x0];
	s2 =	stileid.u32  }
0x4f: {  	s1 =	rddreg [dreg:$0x1];
	p0 =	sne.s32 s2, $0x0  }
0x50: {  	s3 =	rddreg [dreg:$0x2];
	[bflag:$0x3] =	sbarrier.arrive $0xFFFF;
	s2 =	simm.s32 @!p0 $0x1C01  }
0x51: {  	[timem:s3], [sflag:s2] =	dma.local @!p0 [hbm:s0], s1  }
0x52: {  	s0 =	simm.s32 @!p0 $0x1  }
0x53: {  	_ =	swait.ge @!p0 [sflag:s0], s1  }
0x54: {  	s1 =	ssub.s32 @!p0 $0x0, s1;
	[sflag:s0] =	ssyncset.done @!p0 $0x0  }
0x55: {  	[sflag:s0] =	ssyncadd.s32 @!p0 s1  }
0x56: {  	[bflag:$0x3] =	sbarrier.arrive $0xFFFF  }
0x57: {  	_ =	shalt  }

</sc_bundles>
